<compile_context>
chip_gen: v7x
topology: tpu7x:2x2x1
jax: 0.10.2.dev20260603
libtpu: 0.0.44.dev20260713+nightly
codegen_flags: <defaults>
</compile_context>

<pallas_src>
import functools

import jax
import jax.numpy as jnp
from jax import lax
from jax.experimental import pallas as pl
from jax.experimental.pallas import tpu as pltpu
from jax.experimental.pallas import tpu_sc as plsc

N_DST = 10000
D = 128
NC = 2
NS = 16
NW = NC * NS
CHUNK = 128
TAIL = 16
ACC_ROWS = 10240
ROWS_PER_TILE = ACC_ROWS // NS


def _sc_partial_sums(node, src, dst, zeros):
    E = src.shape[0]
    per_tile = E // NW
    m = per_tile // CHUNK
    n_pairs = m // 2 - 1

    mesh = plsc.VectorSubcoreMesh(core_axis_name="c", subcore_axis_name="s")

    @functools.partial(
        pl.kernel,
        mesh=mesh,
        out_type=jax.ShapeDtypeStruct((NC * ACC_ROWS, D), jnp.float32),
        scratch_types=[
            pltpu.VMEM((CHUNK,), jnp.int32),
            pltpu.VMEM((CHUNK,), jnp.int32),
            pltpu.VMEM((CHUNK,), jnp.int32),
            pltpu.VMEM((CHUNK,), jnp.int32),
            pltpu.VMEM((TAIL,), jnp.int32),
            pltpu.VMEM((TAIL,), jnp.int32),
            pltpu.VMEM((CHUNK, D), jnp.float32),
            pltpu.VMEM((CHUNK, D), jnp.float32),
            pltpu.VMEM((TAIL, D), jnp.float32),
            pltpu.VMEM_SHARED((ACC_ROWS, D), jnp.float32),
            pltpu.SemaphoreType.DMA,
            pltpu.SemaphoreType.DMA,
            pltpu.SemaphoreType.DMA,
            pltpu.SemaphoreType.DMA,
            pltpu.SemaphoreType.DMA,
        ],
    )
    def k(node_hbm, src_hbm, dst_hbm, zeros_hbm, out_hbm,
          src_a, dst_a, src_b, dst_b, src_t, dst_t, rows_a, rows_b, rows_t,
          acc, sem_a, sem_b, sem_s, sem_ia, sem_ib):
        c = lax.axis_index("c")
        s = lax.axis_index("s")
        wid = s * NC + c

        r0 = s * ROWS_PER_TILE
        pltpu.sync_copy(zeros_hbm.at[pl.ds(r0, ROWS_PER_TILE)],
                        acc.at[pl.ds(r0, ROWS_PER_TILE)])
        plsc.subcore_barrier()

        base0 = wid * per_tile

        def idx_start(chunk, src_c, dst_c, sem):
            e = base0 + chunk * CHUNK
            pltpu.async_copy(src_hbm.at[pl.ds(e, CHUNK)], src_c, sem)
            pltpu.async_copy(dst_hbm.at[pl.ds(e, CHUNK)], dst_c, sem)

        def idx_wait(chunk, src_c, dst_c, sem):
            e = base0 + chunk * CHUNK
            pltpu.make_async_copy(src_hbm.at[pl.ds(e, CHUNK)], src_c,
                                  sem).wait()
            pltpu.make_async_copy(dst_hbm.at[pl.ds(e, CHUNK)], dst_c,
                                  sem).wait()

        def gather_start(src_c, rows_v, sem):
            pltpu.async_copy(node_hbm.at[src_c], rows_v, sem)

        def gather_wait(src_c, rows_v, sem):
            pltpu.make_async_copy(node_hbm.at[src_c], rows_v, sem).wait()

        def scatter_sync(dst_c, rows_v):
            pltpu.sync_copy(rows_v, acc.at[dst_c], add=True)

        idx_start(0, src_a, dst_a, sem_ia)
        idx_wait(0, src_a, dst_a, sem_ia)
        gather_start(src_a, rows_a, sem_a)

        def body(i, carry):
            idx_start(2 * i + 1, src_b, dst_b, sem_ib)
            gather_wait(src_a, rows_a, sem_a)
            scatter_sync(dst_a, rows_a)
            idx_wait(2 * i + 1, src_b, dst_b, sem_ib)
            gather_start(src_b, rows_b, sem_b)
            idx_start(2 * i + 2, src_a, dst_a, sem_ia)
            idx_wait(2 * i + 2, src_a, dst_a, sem_ia)
            gather_start(src_a, rows_a, sem_a)
            gather_wait(src_b, rows_b, sem_b)
            scatter_sync(dst_b, rows_b)
            return carry

        lax.fori_loop(0, n_pairs, body, 0)
        idx_start(m - 1, src_b, dst_b, sem_ib)
        idx_wait(m - 1, src_b, dst_b, sem_ib)
        gather_start(src_b, rows_b, sem_b)
        et = base0 + m * CHUNK
        pltpu.sync_copy(src_hbm.at[pl.ds(et, TAIL)], src_t)
        pltpu.sync_copy(dst_hbm.at[pl.ds(et, TAIL)], dst_t)
        gather_wait(src_a, rows_a, sem_a)
        pltpu.async_copy(node_hbm.at[src_t], rows_t, sem_a)
        scatter_sync(dst_a, rows_a)
        gather_wait(src_b, rows_b, sem_b)
        scatter_sync(dst_b, rows_b)
        pltpu.make_async_copy(node_hbm.at[src_t], rows_t, sem_a).wait()
        scatter_sync(dst_t, rows_t)
        plsc.subcore_barrier()

        pltpu.sync_copy(acc.at[pl.ds(r0, ROWS_PER_TILE)],
                        out_hbm.at[pl.ds(c * ACC_ROWS + r0, ROWS_PER_TILE)])

    return k(node, src, dst, zeros)


def _combine(partials):
    R = 400

    def body(a_ref, b_ref, o_ref):
        o_ref[...] = a_ref[...] + b_ref[...]

    return pl.pallas_call(
        body,
        grid=(N_DST // R,),
        in_specs=[pl.BlockSpec((R, D), lambda i: (i, 0)),
                  pl.BlockSpec((R, D), lambda i: (i, 0))],
        out_specs=pl.BlockSpec((R, D), lambda i: (i, 0)),
        out_shape=jax.ShapeDtypeStruct((N_DST, D), jnp.float32),
    )(partials[:N_DST], partials[ACC_ROWS:ACC_ROWS + N_DST])


def kernel(node, edge_index):
    ei = edge_index.astype(jnp.int32)
    zeros = jnp.zeros((ACC_ROWS, D), jnp.float32)
    partials = _sc_partial_sums(node, ei[0], ei[1], zeros)
    return _combine(partials)

# --- scband reference (transcript-rebuilt; emitter-appended) ---
"""Pipeline reference for scband-s2r-layer-481036337399 (READ-ONLY COPY).

The authoritative reference and input builder live on the scoring server;
editing this copy changes nothing except your own understanding.
"""

import jax, jax.numpy as jnp
import numpy as np

N_SRC = 10000
N_DST = 10000
E = 320000
D = 128

def setup_inputs(seed: int = 0) -> dict:
    key = jax.random.key(seed)
    k1, k2 = jax.random.split(key)
    node = jax.random.normal(k1, (N_SRC, D), dtype=jnp.float32)
    edge_index = jax.random.randint(k2, (2, E), 0, N_SRC, dtype=jnp.int64)
    return {"node": node, "edge_index": edge_index}

def reference(node, edge_index):
    # DGL copy_u('h','mail') + sum('mail','h') over d2r edges:
    # gather source node features per edge, scatter-add into destination nodes.
    src = edge_index[0]
    dst = edge_index[1]
    msgs = jnp.take(node, src, axis=0)
    score = jax.ops.segment_sum(msgs, dst, num_segments=N_DST)
    return score

if __name__ == "__main__":
    import jax
    _d = setup_inputs()
    print(jax.jit(kernel)(*tuple(_d.values())))

</pallas_src>

<mosaic_0001>
#map = affine_map<(d0, d1) -> (0, 0)>
#map1 = affine_map<(d0, d1) -> (0)>
module attributes {stable_mosaic.version = 14 : i64} {
  func.func @k(%arg0: i32, %arg1: i32, %arg2: memref<10000x128xf32, #tpu.memory_space<hbm>>, %arg3: memref<320000xi32, #tpu.memory_space<hbm>>, %arg4: memref<320000xi32, #tpu.memory_space<hbm>>, %arg5: memref<10240x128xf32, #tpu.memory_space<hbm>>, %arg6: memref<20480x128xf32, #tpu.memory_space<hbm>>, %arg7: memref<128xi32, #tpu.memory_space<vmem>>, %arg8: memref<128xi32, #tpu.memory_space<vmem>>, %arg9: memref<128xi32, #tpu.memory_space<vmem>>, %arg10: memref<128xi32, #tpu.memory_space<vmem>>, %arg11: memref<16xi32, #tpu.memory_space<vmem>>, %arg12: memref<16xi32, #tpu.memory_space<vmem>>, %arg13: memref<128x128xf32, #tpu.memory_space<vmem>>, %arg14: memref<128x128xf32, #tpu.memory_space<vmem>>, %arg15: memref<16x128xf32, #tpu.memory_space<vmem>>, %arg16: memref<10240x128xf32, #tpu.memory_space<vmem_shared>>, %arg17: memref<!tpu.dma_semaphore, #tpu.memory_space<semaphore_mem>>, %arg18: memref<!tpu.dma_semaphore, #tpu.memory_space<semaphore_mem>>, %arg19: memref<!tpu.dma_semaphore, #tpu.memory_space<semaphore_mem>>, %arg20: memref<!tpu.dma_semaphore, #tpu.memory_space<semaphore_mem>>, %arg21: memref<!tpu.dma_semaphore, #tpu.memory_space<semaphore_mem>>) attributes {dimension_semantics = [#tpu.dimension_semantics<core_parallel>, #tpu.dimension_semantics<subcore_parallel>], iteration_bounds = array<i64: 2, 16>, scalar_prefetch = 0 : i64, scratch_operands = 15 : i64, tpu.core_type = #tpu.core_type<sc_vector_subcore>, window_params = [{transform_indices = #map}, {transform_indices = #map1}, {transform_indices = #map1}, {transform_indices = #map}, {transform_indices = #map}]} {
    %mul3A = arith.constant 2 : i32
    %mul3A_0 = arith.muli %arg1, %mul3A : i32
    %add3A = arith.addi %mul3A_0, %arg0 : i32
    %mul3A_1 = arith.constant 640 : i32
    %mul3A_2 = arith.muli %arg1, %mul3A_1 : i32
    "tpu.region"() ({
      %run_scoped3A = tpu.sem_alloc : memref<!tpu.dma_semaphore, #tpu.memory_space<semaphore_mem>>
      %dma_start3A_56 = arith.constant 0 : i32
      %dma_start3A_57 = tpu.memref_slice %arg16[%mul3A_2, %dma_start3A_56] : memref<10240x128xf32, #tpu.memory_space<vmem_shared>> -> memref<640x128xf32, #tpu.memory_space<vmem_shared>>
      %dma_start3A_58 = arith.constant 0 : i32
      %dma_start3A_59 = tpu.memref_slice %arg5[%mul3A_2, %dma_start3A_58] : memref<10240x128xf32, #tpu.memory_space<hbm>> -> memref<640x128xf32, #tpu.memory_space<hbm>>
      tpu.enqueue_dma source(%dma_start3A_59 : memref<640x128xf32, #tpu.memory_space<hbm>>) target(%dma_start3A_57 : memref<640x128xf32, #tpu.memory_space<vmem_shared>>) target_semaphore(%run_scoped3A : memref<!tpu.dma_semaphore, #tpu.memory_space<semaphore_mem>>)
      %dma_wait3A_60 = arith.constant 0 : i32
      %dma_wait3A_61 = tpu.memref_slice %arg16[%mul3A_2, %dma_wait3A_60] : memref<10240x128xf32, #tpu.memory_space<vmem_shared>> -> memref<640x128xf32, #tpu.memory_space<vmem_shared>>
      %dma_wait3A_62 = arith.constant 0 : i32
      %dma_wait3A_63 = tpu.memref_slice %arg5[%mul3A_2, %dma_wait3A_62] : memref<10240x128xf32, #tpu.memory_space<hbm>> -> memref<640x128xf32, #tpu.memory_space<hbm>>
      tpu.wait_dma2 semaphore(%run_scoped3A : memref<!tpu.dma_semaphore, #tpu.memory_space<semaphore_mem>>) src(%dma_wait3A_63 : memref<640x128xf32, #tpu.memory_space<hbm>>) dst(%dma_wait3A_61 : memref<640x128xf32, #tpu.memory_space<vmem_shared>>)
      tpu.yield
    }) : () -> ()
    %barrier3A = arith.constant 0 : index
    tpu.barrier barrier_id(%barrier3A)
    %mul3A_3 = arith.constant 10000 : i32
    %mul3A_4 = arith.muli %add3A, %mul3A_3 : i32
    %add3A_5 = arith.constant 0 : i32
    %add3A_6 = arith.addi %mul3A_4, %add3A_5 : i32
    %dma_start3A = tpu.memref_slice %arg3[%add3A_6] : memref<320000xi32, #tpu.memory_space<hbm>> -> memref<128xi32, #tpu.memory_space<hbm>>
    %dma_start3A_7 = tpu.memref_slice %arg3[%add3A_6] : memref<320000xi32, #tpu.memory_space<hbm>> -> memref<128xi32, #tpu.memory_space<hbm>>
    tpu.enqueue_dma source(%dma_start3A_7 : memref<128xi32, #tpu.memory_space<hbm>>) target(%arg7 : memref<128xi32, #tpu.memory_space<vmem>>) target_semaphore(%arg20 : memref<!tpu.dma_semaphore, #tpu.memory_space<semaphore_mem>>)
    %dma_start3A_8 = tpu.memref_slice %arg4[%add3A_6] : memref<320000xi32, #tpu.memory_space<hbm>> -> memref<128xi32, #tpu.memory_space<hbm>>
    %dma_start3A_9 = tpu.memref_slice %arg4[%add3A_6] : memref<320000xi32, #tpu.memory_space<hbm>> -> memref<128xi32, #tpu.memory_space<hbm>>
    tpu.enqueue_dma source(%dma_start3A_9 : memref<128xi32, #tpu.memory_space<hbm>>) target(%arg8 : memref<128xi32, #tpu.memory_space<vmem>>) target_semaphore(%arg20 : memref<!tpu.dma_semaphore, #tpu.memory_space<semaphore_mem>>)
    %add3A_10 = arith.constant 0 : i32
    %add3A_11 = arith.addi %mul3A_4, %add3A_10 : i32
    %dma_wait3A = tpu.memref_slice %arg3[%add3A_11] : memref<320000xi32, #tpu.memory_space<hbm>> -> memref<128xi32, #tpu.memory_space<hbm>>
    %dma_wait3A_12 = tpu.memref_slice %arg3[%add3A_11] : memref<320000xi32, #tpu.memory_space<hbm>> -> memref<128xi32, #tpu.memory_space<hbm>>
    tpu.wait_dma2 semaphore(%arg20 : memref<!tpu.dma_semaphore, #tpu.memory_space<semaphore_mem>>) src(%dma_wait3A_12 : memref<128xi32, #tpu.memory_space<hbm>>) dst(%arg7 : memref<128xi32, #tpu.memory_space<vmem>>)
    %dma_wait3A_13 = tpu.memref_slice %arg4[%add3A_11] : memref<320000xi32, #tpu.memory_space<hbm>> -> memref<128xi32, #tpu.memory_space<hbm>>
    %dma_wait3A_14 = tpu.memref_slice %arg4[%add3A_11] : memref<320000xi32, #tpu.memory_space<hbm>> -> memref<128xi32, #tpu.memory_space<hbm>>
    tpu.wait_dma2 semaphore(%arg20 : memref<!tpu.dma_semaphore, #tpu.memory_space<semaphore_mem>>) src(%dma_wait3A_14 : memref<128xi32, #tpu.memory_space<hbm>>) dst(%arg8 : memref<128xi32, #tpu.memory_space<vmem>>)
    %dma_start3A_15 = arith.constant 0 : i32
    %dma_start3A_16 = arith.constant 0 : i32
    %dma_start3A_17 = tpu.memref_slice %arg2[%dma_start3A_15, %dma_start3A_16] : memref<10000x128xf32, #tpu.memory_space<hbm>> -> memref<10000x128xf32, #tpu.memory_space<hbm>>
    tpu.enqueue_indirect_dma source(%dma_start3A_17 : memref<10000x128xf32, #tpu.memory_space<hbm>>) target(%arg13 : memref<128x128xf32, #tpu.memory_space<vmem>>) offsets(%arg7 : memref<128xi32, #tpu.memory_space<vmem>>) semaphore(%arg17 : memref<!tpu.dma_semaphore, #tpu.memory_space<semaphore_mem>>)
    %scan3A = arith.constant 0 : i32
    %scan3A_18 = arith.constant 0 : i32
    %scan3A_19 = arith.constant 38 : i32
    %scan3A_20 = arith.addi %scan3A_18, %scan3A_19 : i32
    %scan3A_21 = arith.constant 1 : i32
    scf.for %scan3A_56 = %scan3A_18 to %scan3A_20 step %scan3A_21  : i32 {
      %mul3A_57 = arith.constant 2 : i32
      %mul3A_58 = arith.muli %mul3A_57, %scan3A_56 : i32
      %add3A_59 = arith.constant 1 : i32
      %add3A_60 = arith.addi %mul3A_58, %add3A_59 : i32
      %mul3A_61 = arith.constant 128 : i32
      %mul3A_62 = arith.muli %add3A_60, %mul3A_61 : i32
      %add3A_63 = arith.addi %mul3A_4, %mul3A_62 : i32
      %dma_start3A_64 = tpu.memref_slice %arg3[%add3A_63] : memref<320000xi32, #tpu.memory_space<hbm>> -> memref<128xi32, #tpu.memory_space<hbm>>
      %dma_start3A_65 = tpu.memref_slice %arg3[%add3A_63] : memref<320000xi32, #tpu.memory_space<hbm>> -> memref<128xi32, #tpu.memory_space<hbm>>
      tpu.enqueue_dma source(%dma_start3A_65 : memref<128xi32, #tpu.memory_space<hbm>>) target(%arg9 : memref<128xi32, #tpu.memory_space<vmem>>) target_semaphore(%arg21 : memref<!tpu.dma_semaphore, #tpu.memory_space<semaphore_mem>>)
      %dma_start3A_66 = tpu.memref_slice %arg4[%add3A_63] : memref<320000xi32, #tpu.memory_space<hbm>> -> memref<128xi32, #tpu.memory_space<hbm>>
      %dma_start3A_67 = tpu.memref_slice %arg4[%add3A_63] : memref<320000xi32, #tpu.memory_space<hbm>> -> memref<128xi32, #tpu.memory_space<hbm>>
      tpu.enqueue_dma source(%dma_start3A_67 : memref<128xi32, #tpu.memory_space<hbm>>) target(%arg10 : memref<128xi32, #tpu.memory_space<vmem>>) target_semaphore(%arg21 : memref<!tpu.dma_semaphore, #tpu.memory_space<semaphore_mem>>)
      %dma_wait3A_68 = arith.constant 0 : i32
      %dma_wait3A_69 = arith.constant 0 : i32
      %dma_wait3A_70 = tpu.memref_slice %arg2[%dma_wait3A_68, %dma_wait3A_69] : memref<10000x128xf32, #tpu.memory_space<hbm>> -> memref<10000x128xf32, #tpu.memory_space<hbm>>
      tpu.wait_indirect_dma semaphore(%arg17 : memref<!tpu.dma_semaphore, #tpu.memory_space<semaphore_mem>>) src(%dma_wait3A_70 : memref<10000x128xf32, #tpu.memory_space<hbm>>) dst(%arg13 : memref<128x128xf32, #tpu.memory_space<vmem>>)
      "tpu.region"() ({
        %run_scoped3A = tpu.sem_alloc : memref<!tpu.dma_semaphore, #tpu.memory_space<semaphore_mem>>
        %dma_start3A_113 = arith.constant 0 : i32
        %dma_start3A_114 = arith.constant 0 : i32
        %dma_start3A_115 = tpu.memref_slice %arg16[%dma_start3A_113, %dma_start3A_114] : memref<10240x128xf32, #tpu.memory_space<vmem_shared>> -> memref<10240x128xf32, #tpu.memory_space<vmem_shared>>
        tpu.enqueue_indirect_dma source(%arg13 : memref<128x128xf32, #tpu.memory_space<vmem>>) target(%dma_start3A_115 : memref<10240x128xf32, #tpu.memory_space<vmem_shared>>) offsets(%arg8 : memref<128xi32, #tpu.memory_space<vmem>>) semaphore(%run_scoped3A : memref<!tpu.dma_semaphore, #tpu.memory_space<semaphore_mem>>) {add = true}
        %dma_wait3A_116 = arith.constant 0 : i32
        %dma_wait3A_117 = arith.constant 0 : i32
        %dma_wait3A_118 = tpu.memref_slice %arg16[%dma_wait3A_116, %dma_wait3A_117] : memref<10240x128xf32, #tpu.memory_space<vmem_shared>> -> memref<10240x128xf32, #tpu.memory_space<vmem_shared>>
        tpu.wait_indirect_dma semaphore(%run_scoped3A : memref<!tpu.dma_semaphore, #tpu.memory_space<semaphore_mem>>) src(%arg13 : memref<128x128xf32, #tpu.memory_space<vmem>>) dst(%dma_wait3A_118 : memref<10240x128xf32, #tpu.memory_space<vmem_shared>>)
        tpu.yield
      }) : () -> ()
      %mul3A_71 = arith.constant 2 : i32
      %mul3A_72 = arith.muli %mul3A_71, %scan3A_56 : i32
      %add3A_73 = arith.constant 1 : i32
      %add3A_74 = arith.addi %mul3A_72, %add3A_73 : i32
      %mul3A_75 = arith.constant 128 : i32
      %mul3A_76 = arith.muli %add3A_74, %mul3A_75 : i32
      %add3A_77 = arith.addi %mul3A_4, %mul3A_76 : i32
      %dma_wait3A_78 = tpu.memref_slice %arg3[%add3A_77] : memref<320000xi32, #tpu.memory_space<hbm>> -> memref<128xi32, #tpu.memory_space<hbm>>
      %dma_wait3A_79 = tpu.memref_slice %arg3[%add3A_77] : memref<320000xi32, #tpu.memory_space<hbm>> -> memref<128xi32, #tpu.memory_space<hbm>>
      tpu.wait_dma2 semaphore(%arg21 : memref<!tpu.dma_semaphore, #tpu.memory_space<semaphore_mem>>) src(%dma_wait3A_79 : memref<128xi32, #tpu.memory_space<hbm>>) dst(%arg9 : memref<128xi32, #tpu.memory_space<vmem>>)
      %dma_wait3A_80 = tpu.memref_slice %arg4[%add3A_77] : memref<320000xi32, #tpu.memory_space<hbm>> -> memref<128xi32, #tpu.memory_space<hbm>>
      %dma_wait3A_81 = tpu.memref_slice %arg4[%add3A_77] : memref<320000xi32, #tpu.memory_space<hbm>> -> memref<128xi32, #tpu.memory_space<hbm>>
      tpu.wait_dma2 semaphore(%arg21 : memref<!tpu.dma_semaphore, #tpu.memory_space<semaphore_mem>>) src(%dma_wait3A_81 : memref<128xi32, #tpu.memory_space<hbm>>) dst(%arg10 : memref<128xi32, #tpu.memory_space<vmem>>)
      %dma_start3A_82 = arith.constant 0 : i32
      %dma_start3A_83 = arith.constant 0 : i32
      %dma_start3A_84 = tpu.memref_slice %arg2[%dma_start3A_82, %dma_start3A_83] : memref<10000x128xf32, #tpu.memory_space<hbm>> -> memref<10000x128xf32, #tpu.memory_space<hbm>>
      tpu.enqueue_indirect_dma source(%dma_start3A_84 : memref<10000x128xf32, #tpu.memory_space<hbm>>) target(%arg14 : memref<128x128xf32, #tpu.memory_space<vmem>>) offsets(%arg9 : memref<128xi32, #tpu.memory_space<vmem>>) semaphore(%arg18 : memref<!tpu.dma_semaphore, #tpu.memory_space<semaphore_mem>>)
      %mul3A_85 = arith.constant 2 : i32
      %mul3A_86 = arith.muli %mul3A_85, %scan3A_56 : i32
      %add3A_87 = arith.constant 2 : i32
      %add3A_88 = arith.addi %mul3A_86, %add3A_87 : i32
      %mul3A_89 = arith.constant 128 : i32
      %mul3A_90 = arith.muli %add3A_88, %mul3A_89 : i32
      %add3A_91 = arith.addi %mul3A_4, %mul3A_90 : i32
      %dma_start3A_92 = tpu.memref_slice %arg3[%add3A_91] : memref<320000xi32, #tpu.memory_space<hbm>> -> memref<128xi32, #tpu.memory_space<hbm>>
      %dma_start3A_93 = tpu.memref_slice %arg3[%add3A_91] : memref<320000xi32, #tpu.memory_space<hbm>> -> memref<128xi32, #tpu.memory_space<hbm>>
      tpu.enqueue_dma source(%dma_start3A_93 : memref<128xi32, #tpu.memory_space<hbm>>) target(%arg7 : memref<128xi32, #tpu.memory_space<vmem>>) target_semaphore(%arg20 : memref<!tpu.dma_semaphore, #tpu.memory_space<semaphore_mem>>)
      %dma_start3A_94 = tpu.memref_slice %arg4[%add3A_91] : memref<320000xi32, #tpu.memory_space<hbm>> -> memref<128xi32, #tpu.memory_space<hbm>>
      %dma_start3A_95 = tpu.memref_slice %arg4[%add3A_91] : memref<320000xi32, #tpu.memory_space<hbm>> -> memref<128xi32, #tpu.memory_space<hbm>>
      tpu.enqueue_dma source(%dma_start3A_95 : memref<128xi32, #tpu.memory_space<hbm>>) target(%arg8 : memref<128xi32, #tpu.memory_space<vmem>>) target_semaphore(%arg20 : memref<!tpu.dma_semaphore, #tpu.memory_space<semaphore_mem>>)
      %mul3A_96 = arith.constant 2 : i32
      %mul3A_97 = arith.muli %mul3A_96, %scan3A_56 : i32
      %add3A_98 = arith.constant 2 : i32
      %add3A_99 = arith.addi %mul3A_97, %add3A_98 : i32
      %mul3A_100 = arith.constant 128 : i32
      %mul3A_101 = arith.muli %add3A_99, %mul3A_100 : i32
      %add3A_102 = arith.addi %mul3A_4, %mul3A_101 : i32
      %dma_wait3A_103 = tpu.memref_slice %arg3[%add3A_102] : memref<320000xi32, #tpu.memory_space<hbm>> -> memref<128xi32, #tpu.memory_space<hbm>>
      %dma_wait3A_104 = tpu.memref_slice %arg3[%add3A_102] : memref<320000xi32, #tpu.memory_space<hbm>> -> memref<128xi32, #tpu.memory_space<hbm>>
      tpu.wait_dma2 semaphore(%arg20 : memref<!tpu.dma_semaphore, #tpu.memory_space<semaphore_mem>>) src(%dma_wait3A_104 : memref<128xi32, #tpu.memory_space<hbm>>) dst(%arg7 : memref<128xi32, #tpu.memory_space<vmem>>)
      %dma_wait3A_105 = tpu.memref_slice %arg4[%add3A_102] : memref<320000xi32, #tpu.memory_space<hbm>> -> memref<128xi32, #tpu.memory_space<hbm>>
      %dma_wait3A_106 = tpu.memref_slice %arg4[%add3A_102] : memref<320000xi32, #tpu.memory_space<hbm>> -> memref<128xi32, #tpu.memory_space<hbm>>
      tpu.wait_dma2 semaphore(%arg20 : memref<!tpu.dma_semaphore, #tpu.memory_space<semaphore_mem>>) src(%dma_wait3A_106 : memref<128xi32, #tpu.memory_space<hbm>>) dst(%arg8 : memref<128xi32, #tpu.memory_space<vmem>>)
      %dma_start3A_107 = arith.constant 0 : i32
      %dma_start3A_108 = arith.constant 0 : i32
      %dma_start3A_109 = tpu.memref_slice %arg2[%dma_start3A_107, %dma_start3A_108] : memref<10000x128xf32, #tpu.memory_space<hbm>> -> memref<10000x128xf32, #tpu.memory_space<hbm>>
      tpu.enqueue_indirect_dma source(%dma_start3A_109 : memref<10000x128xf32, #tpu.memory_space<hbm>>) target(%arg13 : memref<128x128xf32, #tpu.memory_space<vmem>>) offsets(%arg7 : memref<128xi32, #tpu.memory_space<vmem>>) semaphore(%arg17 : memref<!tpu.dma_semaphore, #tpu.memory_space<semaphore_mem>>)
      %dma_wait3A_110 = arith.constant 0 : i32
      %dma_wait3A_111 = arith.constant 0 : i32
      %dma_wait3A_112 = tpu.memref_slice %arg2[%dma_wait3A_110, %dma_wait3A_111] : memref<10000x128xf32, #tpu.memory_space<hbm>> -> memref<10000x128xf32, #tpu.memory_space<hbm>>
      tpu.wait_indirect_dma semaphore(%arg18 : memref<!tpu.dma_semaphore, #tpu.memory_space<semaphore_mem>>) src(%dma_wait3A_112 : memref<10000x128xf32, #tpu.memory_space<hbm>>) dst(%arg14 : memref<128x128xf32, #tpu.memory_space<vmem>>)
      "tpu.region"() ({
        %run_scoped3A = tpu.sem_alloc : memref<!tpu.dma_semaphore, #tpu.memory_space<semaphore_mem>>
        %dma_start3A_113 = arith.constant 0 : i32
        %dma_start3A_114 = arith.constant 0 : i32
        %dma_start3A_115 = tpu.memref_slice %arg16[%dma_start3A_113, %dma_start3A_114] : memref<10240x128xf32, #tpu.memory_space<vmem_shared>> -> memref<10240x128xf32, #tpu.memory_space<vmem_shared>>
        tpu.enqueue_indirect_dma source(%arg14 : memref<128x128xf32, #tpu.memory_space<vmem>>) target(%dma_start3A_115 : memref<10240x128xf32, #tpu.memory_space<vmem_shared>>) offsets(%arg10 : memref<128xi32, #tpu.memory_space<vmem>>) semaphore(%run_scoped3A : memref<!tpu.dma_semaphore, #tpu.memory_space<semaphore_mem>>) {add = true}
        %dma_wait3A_116 = arith.constant 0 : i32
        %dma_wait3A_117 = arith.constant 0 : i32
        %dma_wait3A_118 = tpu.memref_slice %arg16[%dma_wait3A_116, %dma_wait3A_117] : memref<10240x128xf32, #tpu.memory_space<vmem_shared>> -> memref<10240x128xf32, #tpu.memory_space<vmem_shared>>
        tpu.wait_indirect_dma semaphore(%run_scoped3A : memref<!tpu.dma_semaphore, #tpu.memory_space<semaphore_mem>>) src(%arg14 : memref<128x128xf32, #tpu.memory_space<vmem>>) dst(%dma_wait3A_118 : memref<10240x128xf32, #tpu.memory_space<vmem_shared>>)
        tpu.yield
      }) : () -> ()
    }
    %scan3A_22 = arith.constant 38 : i32
    %add3A_23 = arith.constant 9856 : i32
    %add3A_24 = arith.addi %mul3A_4, %add3A_23 : i32
    %dma_start3A_25 = tpu.memref_slice %arg3[%add3A_24] : memref<320000xi32, #tpu.memory_space<hbm>> -> memref<128xi32, #tpu.memory_space<hbm>>
    %dma_start3A_26 = tpu.memref_slice %arg3[%add3A_24] : memref<320000xi32, #tpu.memory_space<hbm>> -> memref<128xi32, #tpu.memory_space<hbm>>
    tpu.enqueue_dma source(%dma_start3A_26 : memref<128xi32, #tpu.memory_space<hbm>>) target(%arg9 : memref<128xi32, #tpu.memory_space<vmem>>) target_semaphore(%arg21 : memref<!tpu.dma_semaphore, #tpu.memory_space<semaphore_mem>>)
    %dma_start3A_27 = tpu.memref_slice %arg4[%add3A_24] : memref<320000xi32, #tpu.memory_space<hbm>> -> memref<128xi32, #tpu.memory_space<hbm>>
    %dma_start3A_28 = tpu.memref_slice %arg4[%add3A_24] : memref<320000xi32, #tpu.memory_space<hbm>> -> memref<128xi32, #tpu.memory_space<hbm>>
    tpu.enqueue_dma source(%dma_start3A_28 : memref<128xi32, #tpu.memory_space<hbm>>) target(%arg10 : memref<128xi32, #tpu.memory_space<vmem>>) target_semaphore(%arg21 : memref<!tpu.dma_semaphore, #tpu.memory_space<semaphore_mem>>)
    %add3A_29 = arith.constant 9856 : i32
    %add3A_30 = arith.addi %mul3A_4, %add3A_29 : i32
    %dma_wait3A_31 = tpu.memref_slice %arg3[%add3A_30] : memref<320000xi32, #tpu.memory_space<hbm>> -> memref<128xi32, #tpu.memory_space<hbm>>
    %dma_wait3A_32 = tpu.memref_slice %arg3[%add3A_30] : memref<320000xi32, #tpu.memory_space<hbm>> -> memref<128xi32, #tpu.memory_space<hbm>>
    tpu.wait_dma2 semaphore(%arg21 : memref<!tpu.dma_semaphore, #tpu.memory_space<semaphore_mem>>) src(%dma_wait3A_32 : memref<128xi32, #tpu.memory_space<hbm>>) dst(%arg9 : memref<128xi32, #tpu.memory_space<vmem>>)
    %dma_wait3A_33 = tpu.memref_slice %arg4[%add3A_30] : memref<320000xi32, #tpu.memory_space<hbm>> -> memref<128xi32, #tpu.memory_space<hbm>>
    %dma_wait3A_34 = tpu.memref_slice %arg4[%add3A_30] : memref<320000xi32, #tpu.memory_space<hbm>> -> memref<128xi32, #tpu.memory_space<hbm>>
    tpu.wait_dma2 semaphore(%arg21 : memref<!tpu.dma_semaphore, #tpu.memory_space<semaphore_mem>>) src(%dma_wait3A_34 : memref<128xi32, #tpu.memory_space<hbm>>) dst(%arg10 : memref<128xi32, #tpu.memory_space<vmem>>)
    %dma_start3A_35 = arith.constant 0 : i32
    %dma_start3A_36 = arith.constant 0 : i32
    %dma_start3A_37 = tpu.memref_slice %arg2[%dma_start3A_35, %dma_start3A_36] : memref<10000x128xf32, #tpu.memory_space<hbm>> -> memref<10000x128xf32, #tpu.memory_space<hbm>>
    tpu.enqueue_indirect_dma source(%dma_start3A_37 : memref<10000x128xf32, #tpu.memory_space<hbm>>) target(%arg14 : memref<128x128xf32, #tpu.memory_space<vmem>>) offsets(%arg9 : memref<128xi32, #tpu.memory_space<vmem>>) semaphore(%arg18 : memref<!tpu.dma_semaphore, #tpu.memory_space<semaphore_mem>>)
    %add3A_38 = arith.constant 9984 : i32
    %add3A_39 = arith.addi %mul3A_4, %add3A_38 : i32
    "tpu.region"() ({
      %run_scoped3A = tpu.sem_alloc : memref<!tpu.dma_semaphore, #tpu.memory_space<semaphore_mem>>
      %dma_start3A_56 = tpu.memref_slice %arg3[%add3A_39] : memref<320000xi32, #tpu.memory_space<hbm>> -> memref<16xi32, #tpu.memory_space<hbm>>
      %dma_start3A_57 = tpu.memref_slice %arg3[%add3A_39] : memref<320000xi32, #tpu.memory_space<hbm>> -> memref<16xi32, #tpu.memory_space<hbm>>
      tpu.enqueue_dma source(%dma_start3A_57 : memref<16xi32, #tpu.memory_space<hbm>>) target(%arg11 : memref<16xi32, #tpu.memory_space<vmem>>) target_semaphore(%run_scoped3A : memref<!tpu.dma_semaphore, #tpu.memory_space<semaphore_mem>>)
      %dma_wait3A_58 = tpu.memref_slice %arg3[%add3A_39] : memref<320000xi32, #tpu.memory_space<hbm>> -> memref<16xi32, #tpu.memory_space<hbm>>
      %dma_wait3A_59 = tpu.memref_slice %arg3[%add3A_39] : memref<320000xi32, #tpu.memory_space<hbm>> -> memref<16xi32, #tpu.memory_space<hbm>>
      tpu.wait_dma2 semaphore(%run_scoped3A : memref<!tpu.dma_semaphore, #tpu.memory_space<semaphore_mem>>) src(%dma_wait3A_59 : memref<16xi32, #tpu.memory_space<hbm>>) dst(%arg11 : memref<16xi32, #tpu.memory_space<vmem>>)
      tpu.yield
    }) : () -> ()
    "tpu.region"() ({
      %run_scoped3A = tpu.sem_alloc : memref<!tpu.dma_semaphore, #tpu.memory_space<semaphore_mem>>
      %dma_start3A_56 = tpu.memref_slice %arg4[%add3A_39] : memref<320000xi32, #tpu.memory_space<hbm>> -> memref<16xi32, #tpu.memory_space<hbm>>
      %dma_start3A_57 = tpu.memref_slice %arg4[%add3A_39] : memref<320000xi32, #tpu.memory_space<hbm>> -> memref<16xi32, #tpu.memory_space<hbm>>
      tpu.enqueue_dma source(%dma_start3A_57 : memref<16xi32, #tpu.memory_space<hbm>>) target(%arg12 : memref<16xi32, #tpu.memory_space<vmem>>) target_semaphore(%run_scoped3A : memref<!tpu.dma_semaphore, #tpu.memory_space<semaphore_mem>>)
      %dma_wait3A_58 = tpu.memref_slice %arg4[%add3A_39] : memref<320000xi32, #tpu.memory_space<hbm>> -> memref<16xi32, #tpu.memory_space<hbm>>
      %dma_wait3A_59 = tpu.memref_slice %arg4[%add3A_39] : memref<320000xi32, #tpu.memory_space<hbm>> -> memref<16xi32, #tpu.memory_space<hbm>>
      tpu.wait_dma2 semaphore(%run_scoped3A : memref<!tpu.dma_semaphore, #tpu.memory_space<semaphore_mem>>) src(%dma_wait3A_59 : memref<16xi32, #tpu.memory_space<hbm>>) dst(%arg12 : memref<16xi32, #tpu.memory_space<vmem>>)
      tpu.yield
    }) : () -> ()
    %dma_wait3A_40 = arith.constant 0 : i32
    %dma_wait3A_41 = arith.constant 0 : i32
    %dma_wait3A_42 = tpu.memref_slice %arg2[%dma_wait3A_40, %dma_wait3A_41] : memref<10000x128xf32, #tpu.memory_space<hbm>> -> memref<10000x128xf32, #tpu.memory_space<hbm>>
    tpu.wait_indirect_dma semaphore(%arg17 : memref<!tpu.dma_semaphore, #tpu.memory_space<semaphore_mem>>) src(%dma_wait3A_42 : memref<10000x128xf32, #tpu.memory_space<hbm>>) dst(%arg13 : memref<128x128xf32, #tpu.memory_space<vmem>>)
    %dma_start3A_43 = arith.constant 0 : i32
    %dma_start3A_44 = arith.constant 0 : i32
    %dma_start3A_45 = tpu.memref_slice %arg2[%dma_start3A_43, %dma_start3A_44] : memref<10000x128xf32, #tpu.memory_space<hbm>> -> memref<10000x128xf32, #tpu.memory_space<hbm>>
    tpu.enqueue_indirect_dma source(%dma_start3A_45 : memref<10000x128xf32, #tpu.memory_space<hbm>>) target(%arg15 : memref<16x128xf32, #tpu.memory_space<vmem>>) offsets(%arg11 : memref<16xi32, #tpu.memory_space<vmem>>) semaphore(%arg17 : memref<!tpu.dma_semaphore, #tpu.memory_space<semaphore_mem>>)
    "tpu.region"() ({
      %run_scoped3A = tpu.sem_alloc : memref<!tpu.dma_semaphore, #tpu.memory_space<semaphore_mem>>
      %dma_start3A_56 = arith.constant 0 : i32
      %dma_start3A_57 = arith.constant 0 : i32
      %dma_start3A_58 = tpu.memref_slice %arg16[%dma_start3A_56, %dma_start3A_57] : memref<10240x128xf32, #tpu.memory_space<vmem_shared>> -> memref<10240x128xf32, #tpu.memory_space<vmem_shared>>
      tpu.enqueue_indirect_dma source(%arg13 : memref<128x128xf32, #tpu.memory_space<vmem>>) target(%dma_start3A_58 : memref<10240x128xf32, #tpu.memory_space<vmem_shared>>) offsets(%arg8 : memref<128xi32, #tpu.memory_space<vmem>>) semaphore(%run_scoped3A : memref<!tpu.dma_semaphore, #tpu.memory_space<semaphore_mem>>) {add = true}
      %dma_wait3A_59 = arith.constant 0 : i32
      %dma_wait3A_60 = arith.constant 0 : i32
      %dma_wait3A_61 = tpu.memref_slice %arg16[%dma_wait3A_59, %dma_wait3A_60] : memref<10240x128xf32, #tpu.memory_space<vmem_shared>> -> memref<10240x128xf32, #tpu.memory_space<vmem_shared>>
      tpu.wait_indirect_dma semaphore(%run_scoped3A : memref<!tpu.dma_semaphore, #tpu.memory_space<semaphore_mem>>) src(%arg13 : memref<128x128xf32, #tpu.memory_space<vmem>>) dst(%dma_wait3A_61 : memref<10240x128xf32, #tpu.memory_space<vmem_shared>>)
      tpu.yield
    }) : () -> ()
    %dma_wait3A_46 = arith.constant 0 : i32
    %dma_wait3A_47 = arith.constant 0 : i32
    %dma_wait3A_48 = tpu.memref_slice %arg2[%dma_wait3A_46, %dma_wait3A_47] : memref<10000x128xf32, #tpu.memory_space<hbm>> -> memref<10000x128xf32, #tpu.memory_space<hbm>>
    tpu.wait_indirect_dma semaphore(%arg18 : memref<!tpu.dma_semaphore, #tpu.memory_space<semaphore_mem>>) src(%dma_wait3A_48 : memref<10000x128xf32, #tpu.memory_space<hbm>>) dst(%arg14 : memref<128x128xf32, #tpu.memory_space<vmem>>)
    "tpu.region"() ({
      %run_scoped3A = tpu.sem_alloc : memref<!tpu.dma_semaphore, #tpu.memory_space<semaphore_mem>>
      %dma_start3A_56 = arith.constant 0 : i32
      %dma_start3A_57 = arith.constant 0 : i32
      %dma_start3A_58 = tpu.memref_slice %arg16[%dma_start3A_56, %dma_start3A_57] : memref<10240x128xf32, #tpu.memory_space<vmem_shared>> -> memref<10240x128xf32, #tpu.memory_space<vmem_shared>>
      tpu.enqueue_indirect_dma source(%arg14 : memref<128x128xf32, #tpu.memory_space<vmem>>) target(%dma_start3A_58 : memref<10240x128xf32, #tpu.memory_space<vmem_shared>>) offsets(%arg10 : memref<128xi32, #tpu.memory_space<vmem>>) semaphore(%run_scoped3A : memref<!tpu.dma_semaphore, #tpu.memory_space<semaphore_mem>>) {add = true}
      %dma_wait3A_59 = arith.constant 0 : i32
      %dma_wait3A_60 = arith.constant 0 : i32
      %dma_wait3A_61 = tpu.memref_slice %arg16[%dma_wait3A_59, %dma_wait3A_60] : memref<10240x128xf32, #tpu.memory_space<vmem_shared>> -> memref<10240x128xf32, #tpu.memory_space<vmem_shared>>
      tpu.wait_indirect_dma semaphore(%run_scoped3A : memref<!tpu.dma_semaphore, #tpu.memory_space<semaphore_mem>>) src(%arg14 : memref<128x128xf32, #tpu.memory_space<vmem>>) dst(%dma_wait3A_61 : memref<10240x128xf32, #tpu.memory_space<vmem_shared>>)
      tpu.yield
    }) : () -> ()
    %dma_wait3A_49 = arith.constant 0 : i32
    %dma_wait3A_50 = arith.constant 0 : i32
    %dma_wait3A_51 = tpu.memref_slice %arg2[%dma_wait3A_49, %dma_wait3A_50] : memref<10000x128xf32, #tpu.memory_space<hbm>> -> memref<10000x128xf32, #tpu.memory_space<hbm>>
    tpu.wait_indirect_dma semaphore(%arg17 : memref<!tpu.dma_semaphore, #tpu.memory_space<semaphore_mem>>) src(%dma_wait3A_51 : memref<10000x128xf32, #tpu.memory_space<hbm>>) dst(%arg15 : memref<16x128xf32, #tpu.memory_space<vmem>>)
    "tpu.region"() ({
      %run_scoped3A = tpu.sem_alloc : memref<!tpu.dma_semaphore, #tpu.memory_space<semaphore_mem>>
      %dma_start3A_56 = arith.constant 0 : i32
      %dma_start3A_57 = arith.constant 0 : i32
      %dma_start3A_58 = tpu.memref_slice %arg16[%dma_start3A_56, %dma_start3A_57] : memref<10240x128xf32, #tpu.memory_space<vmem_shared>> -> memref<10240x128xf32, #tpu.memory_space<vmem_shared>>
      tpu.enqueue_indirect_dma source(%arg15 : memref<16x128xf32, #tpu.memory_space<vmem>>) target(%dma_start3A_58 : memref<10240x128xf32, #tpu.memory_space<vmem_shared>>) offsets(%arg12 : memref<16xi32, #tpu.memory_space<vmem>>) semaphore(%run_scoped3A : memref<!tpu.dma_semaphore, #tpu.memory_space<semaphore_mem>>) {add = true}
      %dma_wait3A_59 = arith.constant 0 : i32
      %dma_wait3A_60 = arith.constant 0 : i32
      %dma_wait3A_61 = tpu.memref_slice %arg16[%dma_wait3A_59, %dma_wait3A_60] : memref<10240x128xf32, #tpu.memory_space<vmem_shared>> -> memref<10240x128xf32, #tpu.memory_space<vmem_shared>>
      tpu.wait_indirect_dma semaphore(%run_scoped3A : memref<!tpu.dma_semaphore, #tpu.memory_space<semaphore_mem>>) src(%arg15 : memref<16x128xf32, #tpu.memory_space<vmem>>) dst(%dma_wait3A_61 : memref<10240x128xf32, #tpu.memory_space<vmem_shared>>)
      tpu.yield
    }) : () -> ()
    %barrier3A_52 = arith.constant 0 : index
    tpu.barrier barrier_id(%barrier3A_52)
    %mul3A_53 = arith.constant 10240 : i32
    %mul3A_54 = arith.muli %arg0, %mul3A_53 : i32
    %add3A_55 = arith.addi %mul3A_54, %mul3A_2 : i32
    "tpu.region"() ({
      %run_scoped3A = tpu.sem_alloc : memref<!tpu.dma_semaphore, #tpu.memory_space<semaphore_mem>>
      %dma_start3A_56 = arith.constant 0 : i32
      %dma_start3A_57 = tpu.memref_slice %arg6[%add3A_55, %dma_start3A_56] : memref<20480x128xf32, #tpu.memory_space<hbm>> -> memref<640x128xf32, #tpu.memory_space<hbm>>
      %dma_start3A_58 = arith.constant 0 : i32
      %dma_start3A_59 = tpu.memref_slice %arg16[%mul3A_2, %dma_start3A_58] : memref<10240x128xf32, #tpu.memory_space<vmem_shared>> -> memref<640x128xf32, #tpu.memory_space<vmem_shared>>
      tpu.enqueue_dma source(%dma_start3A_59 : memref<640x128xf32, #tpu.memory_space<vmem_shared>>) target(%dma_start3A_57 : memref<640x128xf32, #tpu.memory_space<hbm>>) target_semaphore(%run_scoped3A : memref<!tpu.dma_semaphore, #tpu.memory_space<semaphore_mem>>)
      %dma_wait3A_60 = arith.constant 0 : i32
      %dma_wait3A_61 = tpu.memref_slice %arg6[%add3A_55, %dma_wait3A_60] : memref<20480x128xf32, #tpu.memory_space<hbm>> -> memref<640x128xf32, #tpu.memory_space<hbm>>
      %dma_wait3A_62 = arith.constant 0 : i32
      %dma_wait3A_63 = tpu.memref_slice %arg16[%mul3A_2, %dma_wait3A_62] : memref<10240x128xf32, #tpu.memory_space<vmem_shared>> -> memref<640x128xf32, #tpu.memory_space<vmem_shared>>
      tpu.wait_dma2 semaphore(%run_scoped3A : memref<!tpu.dma_semaphore, #tpu.memory_space<semaphore_mem>>) src(%dma_wait3A_63 : memref<640x128xf32, #tpu.memory_space<vmem_shared>>) dst(%dma_wait3A_61 : memref<640x128xf32, #tpu.memory_space<hbm>>)
      tpu.yield
    }) : () -> ()
    return
  }
}

module attributes {stable_mosaic.version = 14 : i64} {
  func.func @body(%arg0: i32, %arg1: memref<400x128xf32, #tpu.memory_space<vmem>>, %arg2: memref<400x128xf32, #tpu.memory_space<vmem>>, %arg3: memref<400x128xf32, #tpu.memory_space<vmem>>) attributes {dimension_semantics = [#tpu.dimension_semantics<arbitrary>], iteration_bounds = array<i64: 25>, scalar_prefetch = 0 : i64, scratch_operands = 0 : i64, tpu.core_type = #tpu.core_type<tc>, window_params = [{transform_indices = @transform_0, window_bounds = array<i64: 400, 128>}, {transform_indices = @transform_1, window_bounds = array<i64: 400, 128>}, {transform_indices = @transform_2, window_bounds = array<i64: 400, 128>}]} {
    %get3A = arith.constant 0 : index
    %get3A_0 = arith.constant 0 : index
    %get3A_1 = vector.load %arg1[%get3A, %get3A_0] : memref<400x128xf32, #tpu.memory_space<vmem>>, vector<400x128xf32>
    %get3A_2 = arith.constant 0 : index
    %get3A_3 = arith.constant 0 : index
    %get3A_4 = vector.load %arg2[%get3A_2, %get3A_3] : memref<400x128xf32, #tpu.memory_space<vmem>>, vector<400x128xf32>
    %add3A = arith.addf %get3A_1, %get3A_4 : vector<400x128xf32>
    %swap3A = arith.constant 0 : index
    %swap3A_5 = arith.constant 0 : index
    %swap3A_6 = vector.load %arg3[%swap3A, %swap3A_5] : memref<400x128xf32, #tpu.memory_space<vmem>>, vector<400x128xf32>
    tpu.vector_store %arg3[%swap3A, %swap3A_5], %add3A {strides = array<i32>} : memref<400x128xf32, #tpu.memory_space<vmem>>, vector<400x128xf32>,
    return
  }
  func.func @transform_0(%arg0: i32) -> (i32, i32) {
    %c0_i32 = arith.constant 0 : i32
    %c0_i32_0 = arith.constant 0 : i32
    return %arg0, %c0_i32 : i32, i32
  }
  func.func @transform_1(%arg0: i32) -> (i32, i32) {
    %c0_i32 = arith.constant 0 : i32
    %c0_i32_0 = arith.constant 0 : i32
    return %arg0, %c0_i32 : i32, i32
  }
  func.func @transform_2(%arg0: i32) -> (i32, i32) {
    %c0_i32 = arith.constant 0 : i32
    %c0_i32_0 = arith.constant 0 : i32
    return %arg0, %c0_i32 : i32, i32
  }
}

</mosaic_0001>

<sc_bundles>
// kernel: kernel.4.cloned.1.call-start
scs
__scs_entry_jumppad:
0x0: {  	(pc) =	sbr.rel $0x88, $3  }
0x1: {  	(tag) =	ssettag $0x0;
	lr =	simm.s32 $0x1  }
0x2: {  	[smem:$0x3F9F] =	sst lr;
	_ =	strace $0xD0000000  }
0x3: {  	_ = 	snop  }
0x4: {  	_ = 	snop  }
0x5: {  	_ = 	snop  }
0x6: {  	_ = 	snop  }
0x7: {  	_ = 	snop  }
__scs_overlays_trampoline_lowered:
0x8: {  	[smem:$0x3FAE] =	sst s0  }
0x9: {  	[smem:$0x3FAF] =	sst s1  }
0xa: {  	[smem:$0x3FB0] =	sst s2  }
0xb: {  	[smem:$0x3FB1] =	sst s3  }
0xc: {  	[smem:$0x3FB2] =	sst s4  }
0xd: {  	[smem:$0x3FB3] =	sst s5  }
0xe: {  	[smem:$0x3FB4] =	sst s6  }
0xf: {  	[smem:$0x3FB5] =	sst s7  }
0x10: {  	[smem:$0x3FB6] =	sst s8  }
0x11: {  	[smem:$0x3FB7] =	sst s9;
	s0 =	simm.s32 @!p0 $0x0  }
0x12: {  	s1 =	sld [smem:$0x3F9D];
	s0 =	simm.s32 @p0 $0x1  }
0x13: {  	[smem:$0x3FB8] =	sst s0;
	s0 =	simm.s32 @!p1 $0x0  }
0x14: {  	s2 =	sld [smem:$0x3F9C];
	s0 =	simm.s32 @p1 $0x1  }
0x15: {  	[smem:$0x3FB9] =	sst s0;
	s0 =	simm.s32 @!p2 $0x0  }
0x16: {  	s3 =	sld [smem:$0x3FDB];
	s0 =	simm.s32 @p2 $0x1  }
0x17: {  	s4 =	simm.s32 $0x1BF5;
	[smem:$0x3FBB] =	sst s0  }
0x18: {  	s0 =	sld [smem:$0x3F9E];
	_ =	swait.ge [sflag:s4], $0x0  }
0x19: {  	s7 =	sld [smem:$0x3F9F]  }
0x1a: {  	s8 =	sadd.s32 $0xFFFFE003, lr  }
0x1b: {  	s9 =	sadd.s32 $0xFFFFFEF7, lr;
	s5 =	simm.s32 $0xFFFFFFFF;
	p2 =	slt.u32 s8, $0xFFFFF086  }
0x1c: {  	p1 =	slt.u32 s9, $0xF7A;
	s5 =	simm.s32 @!p2 $0x0  }
0x1d: {  	s5 =	simm.s32 @p1 $0x1;
	p0 =	seq.s32 s7, s2  }
0x1e: {  	s7 =	smul.u32 @!p0 $0xF7A, s2;
	p2 =	seq.s32 @!p0 s5, $0x0  }
0x1f: {  	s9 =	smul.u32 $0xF7A, s1;
	s8 =	simm.s32 @!p0 $0x1BF5;
	p2 =	por !p2, p0  }
0x20: {  	[sflag:s8] =	ssyncset.s32 @!p0 $0xFFFFF086;
	s6 =	sadd.s32 @!p0 s3, s7;
	s7 =	simm.s32 @!p0 $0x108  }
0x21: {  	s3 =	sadd.s32 s3, s9;
	s6 =	sadd.s32 @!p0 $0x88, s6;
	s7 =	simm.s32 @p2 $0x1082  }
0x22: {  	[simem:s7], [sflag:s8] =	dma.local @!p0 [hbm:s6], $0xF7A  }
0x23: {  	s9 =	sor.u32 $0xD0000000, s2;
	s6 =	simm.s32 $0x108;
	_ =	swait.ge @!p0 [sflag:s8], $0x0  }
0x24: {  	s3 =	sadd.s32 $0x88, s3;
	s6 =	simm.s32 @!p1 $0x1082;
	[sflag:s4] =	ssyncset.s32 $0xFFFFF086  }
0x25: {  	[simem:s6], [sflag:s4] =	dma.local [hbm:s3], $0xF7A  }
0x26: {  	[smem:$0x3F9F] =	sst s1;
	(tag) =	ssettag s2;
	_ =	strace s9  }
0x27: {  	s1 =	sld [smem:$0x3FAF]  }
0x28: {  	s2 =	sld [smem:$0x3FB0]  }
0x29: {  	s4 =	sld [smem:$0x3FB2]  }
0x2a: {  	p0 =	seq.s32 s5, $0x0;
	s5 =	sld [smem:$0x3FB3]  }
0x2b: {  	s6 =	sld [smem:$0x3FB4]  }
0x2c: {  	s7 =	sld [smem:$0x3FB5]  }
0x2d: {  	s3 =	simm.s32 $0x108;
	s8 =	sld [smem:$0x3FB6]  }
0x2e: {  	s3 =	simm.s32 @!p0 $0x1082;
	s9 =	sld [smem:$0x3FB7]  }
0x2f: {  	lr =	sadd.s32 s0, s3;
	s0 =	sld [smem:$0x3FAE]  }
0x30: {  	s3 =	sld [smem:$0x3FB1]  }
0x31: {  	[smem:$0x3FBA] =	sst s10  }
0x32: {  	s10 =	sld [smem:$0x3FB8];
	_ =	sdelay $0x3  }
0x33: {  	p0 =	seq.s32 s10, $0x1;
	s10 =	sld [smem:$0x3FBA];
	_ =	sdelay $0x3  }
0x34: {  	[smem:$0x3FBA] =	sst s10  }
0x35: {  	s10 =	sld [smem:$0x3FB9];
	_ =	sdelay $0x3  }
0x36: {  	p1 =	seq.s32 s10, $0x1;
	s10 =	sld [smem:$0x3FBA];
	_ =	sdelay $0x3  }
0x37: {  	[smem:$0x3FBA] =	sst s10  }
0x38: {  	s10 =	sld [smem:$0x3FBB]  }
0x39: {  	_ = 	snop;
	(pc) =	sbr.ind lr, $3  }
0x3a: {  	_ = 	snop  }
0x3b: {  	_ = 	snop  }
0x3c: {  	p2 =	seq.s32 s10, $0x1;
	s10 =	sld [smem:$0x3FBA]  }
0x3d: {  	_ =	shalt  }
0x3e: {  	_ =	shalt  }
0x3f: {  	_ =	shalt  }
0x40: {  	_ =	shalt  }
0x41: {  	_ =	shalt  }
0x42: {  	_ =	shalt  }
0x43: {  	_ =	shalt  }
0x44: {  	_ =	shalt  }
0x45: {  	_ =	shalt  }
0x46: {  	_ =	shalt  }
0x47: {  	_ =	shalt  }
0x48: {  	_ =	shalt  }
0x49: {  	_ =	shalt  }
0x4a: {  	_ =	shalt  }
0x4b: {  	_ =	shalt  }
0x4c: {  	_ =	shalt  }
0x4d: {  	_ =	shalt  }
0x4e: {  	_ =	shalt  }
0x4f: {  	_ =	shalt  }
0x50: {  	_ =	shalt  }
0x51: {  	_ =	shalt  }
0x52: {  	_ =	shalt  }
0x53: {  	_ =	shalt  }
0x54: {  	_ =	shalt  }
0x55: {  	_ =	shalt  }
0x56: {  	_ =	shalt  }
0x57: {  	_ =	shalt  }
0x58: {  	_ =	shalt  }
0x59: {  	_ =	shalt  }
0x5a: {  	_ =	shalt  }
0x5b: {  	_ =	shalt  }
0x5c: {  	_ =	shalt  }
0x5d: {  	_ =	shalt  }
0x5e: {  	_ =	shalt  }
0x5f: {  	_ =	shalt  }
0x60: {  	_ =	shalt  }
0x61: {  	_ =	shalt  }
0x62: {  	_ =	shalt  }
0x63: {  	_ =	shalt  }
0x64: {  	_ =	shalt  }
0x65: {  	_ =	shalt  }
0x66: {  	_ =	shalt  }
0x67: {  	_ =	shalt  }
0x68: {  	_ =	shalt  }
0x69: {  	_ =	shalt  }
0x6a: {  	_ =	shalt  }
0x6b: {  	_ =	shalt  }
0x6c: {  	_ =	shalt  }
0x6d: {  	_ =	shalt  }
0x6e: {  	_ =	shalt  }
0x6f: {  	_ =	shalt  }
0x70: {  	_ =	shalt  }
0x71: {  	_ =	shalt  }
0x72: {  	_ =	shalt  }
0x73: {  	_ =	shalt  }
0x74: {  	_ =	shalt  }
0x75: {  	_ =	shalt  }
0x76: {  	_ =	shalt  }
0x77: {  	_ =	shalt  }
0x78: {  	_ =	shalt  }
0x79: {  	_ =	shalt  }
0x7a: {  	_ =	shalt  }
0x7b: {  	_ =	shalt  }
0x7c: {  	_ =	shalt  }
0x7d: {  	_ =	shalt  }
0x7e: {  	_ =	shalt  }
0x7f: {  	_ =	shalt  }
0x80: {  	_ =	shalt  }
0x81: {  	_ =	shalt  }
0x82: {  	_ =	shalt  }
0x83: {  	_ =	shalt  }
0x84: {  	_ =	shalt  }
0x85: {  	_ =	shalt  }
0x86: {  	_ =	shalt  }
0x87: {  	_ =	shalt  }
.Lfunc_end0:
.L_simem_size_0:
called_computation_lowered:
.L_overlay_start_0:
0x88: {  	s2 =	sld [smem:$0x3FD9]  }
0x89: {  	s3 =	sld [smem:$0x3FFE];
	_ =	sdelay $0x1  }
0x8a: {  	s1 =	srdreg.scid  }
0x8b: {  	s0 =	sand.u32 $0x1, s1  }
0x8c: {  	s17 =	sshll.u32 s0, $0xA;
	s2 =	sadd.s32 s3, s2  }
0x8d: {  	s2 =	sadd.s32 s2, s17  }
0x8e: {  	[smem:$0x3FC6] =	sst s2  }
0x8f: {  	_ = 	snop  }
0x90: {  	s2 =	sld [smem:$0x3FC9]  }
0x91: {  	s18 =	sld [smem:$0x3FD0];
	(tm) =	ssettm $0x1  }
0x92: {  	s4 =	sld [smem:$0x3FFB];
	_ =	sdelay $0x3  }
0x93: {  	_ =	strace s4  }
0x94: {  	s4 =	sld [smem:$0x3FFC];
	_ =	sdelay $0x3  }
0x95: {  	_ =	strace s4  }
0x96: {  	s4 =	sld [smem:$0x3FFD];
	_ =	sdelay $0x3  }
0x97: {  	_ =	strace s4  }
0x98: {  	_ =	strace $0x8FFFFFFF  }
0x99: {  	s19 =	sld [smem:$0x3FDB];
	_ =	sdelay $0x1  }
0x9a: {  	s5 =	simm.s32 $_scs_section_size  }
0x9b: {  	s6 =	simm.s32 $_size__tile_overlayer_lowered;
	s7 =	simm.s32 $_tile_overlayer_lowered  }
0x9c: {  	s22 =	simm.s32 $0x1BFF;
	s21 =	sshll.u32 s7, $0x1;
	s4 =	sadd.s32 s5, s19  }
0x9d: {  	s8 =	simm.s32 $0x0;
	s20 =	sshll.u32 s6, $0x1;
	s6 =	sadd.s32 s21, s4  }
0x9e: {  	[timem:s8], [sflag:s22] =	dma.local [hbm:s6], s20  }
0x9f: {  	_ =	swait.ge [sflag:s22], s20  }
0xa0: {  	s5 =	ssub.s32 $0x0, s20;
	[sflag:s22] =	ssyncset.done $0x0  }
0xa1: {  	[sflag:s22] =	ssyncadd.s32 s5;
	_ =	sdelay $0x1  }
0xa2: {  	s23 =	simm.s32 $0x1B8B  }
0xa3: {  	_ =	swait.ge [sflag:s23], $0x1  }
0xa4: {  	[sflag:s23] =	ssyncset.done $0x0  }
0xa5: {  	s25 =	simm.s32 $0x1B8E;
	s24 =	sld [smem:$0x3FFE];
	[sflag:s23] =	ssyncadd.s32 $0xFFFFFFFF  }
0xa6: {  	s26 =	simm.s32 $execute0_lowered;
	[smem:$0x3FD2] =	sst s25  }
0xa7: {  	s6 =	sshll.u32 s26, $0x1;
	_ =	strace $0x80000046;
	[dreg:$0x1] =	wrdreg $0xFFFFFFFF  }
0xa8: {  	s28 =	simm.s32 $_size_execute0_lowered;
	s4 =	sadd.s32 s4, s6;
	[dreg:$0x0] =	wrdreg $0x0  }
0xa9: {  	s6 =	sshll.u32 s28, $0x1;
	[dreg:$0x2] =	wrdreg s4  }
0xaa: {  	[dreg:$0x3] =	wrdreg s6  }
0xab: {  	[dreg:$0x4] =	wrdreg $0xC0  }
0xac: {  	_ =	task [dreg:s8], $0x5FFFF  }
0xad: {  	[dreg:$0x1] =	wrdreg $0xFFFFFFFF  }
0xae: {  	[dreg:$0x0] =	wrdreg $0x60  }
0xaf: {  	[dreg:$0x2] =	wrdreg s2  }
0xb0: {  	[dreg:$0x3] =	wrdreg s24  }
0xb1: {  	[dreg:$0x4] =	wrdreg s18  }
0xb2: {  	[dreg:$0x5] =	wrdreg $0x8B000  }
0xb3: {  	[dreg:$0x6] =	wrdreg $0x9  }
0xb4: {  	_ =	task.clear_ibuf [dreg:s8], $0x7FFFF;
	_ =	strace $0x90000046  }
0xb5: {  	s29 =	simm.s32 $0x9;
	_ =	strace $0x80000048  }
0xb6: {  	_ =	swait.ge [sflag:s29], $0x1  }
0xb7: {  	[sflag:s29] =	ssyncadd.s32 $0xFFFFFFFF  }
0xb8: {  	_ =	strace $0x90000048  }
0xb9: {  	_ =	sfence  }
0xba: {  	s30 =	sld [smem:$0x0];
	_ =	sdelay $0x2  }
0xbb: {  	s31 =	sshll.u32 s1, $0xD;
	s1 =	sshrl.u32 s1, $0x2  }
0xbc: {  	s3 =	sand.u32 $0x4000, s31;
	s1 =	sadd.s32 s1, s30  }
0xbd: {  	s0 =	sor.u32 s3, s0;
	s1 =	sshll.u32 s1, $0x11  }
0xbe: {  	s0 =	sor.u32 s1, s0  }
0xbf: {  	s0 =	sadd.s32 $0x8F2B, s0  }
0xc0: {  	[sflag:s0] =	ssyncadd.remote.s32 $0x1  }
0xc1: {  	_ =	sfence.sel $0xFFFF  }
0xc2: {  	[dreg:$0x0] =	wrdreg $0xFFFFFFFF;
	(pc) =	sbr.abs _section_cstart, $3  }
0xc3: {  	[dreg:$0x1] =	wrdreg $0xFFFFFFFF  }
0xc4: {  	_ =	task.clear_ibuf [dreg:s8], $0x2FFFF;
	_ =	strace $0x9FFFFFFF  }
0xc5: {  	(tm) =	ssettm $0x7FFFFFFF  }
tec
execute0_lowered:
.L_overlay_start_1:
0x0: {  	(tag) =	ssettag $0x1  }
0x1: {  	s1 =	rddreg [dreg:$0x0]  }
0x2: {  	s2 =	rddreg [dreg:$0x1]  }
0x3: {  	s4 =	rddreg [dreg:$0x2]  }
0x4: {  	s12 =	stileid.u32;
	s0 =	srdreg.scid  }
0x5: {  	s5 =	rddreg [dreg:$0x3];
	s6 =	simm.s32 $0x0;
	s28 =	simm.s32 $0x1  }
0x6: {  	s29 =	simm.s32 $0x4;
	s30 =	simm.s32 $0x4300;
	s3 =	smul.u32 $0x2800, s12  }
0x7: {  	s31 =	simm.s32 $0x2;
	s0 =	sand.u32 $0x1, s0;
	s9 =	smul.u32 $0x50000, s12  }
0x8: {  	[smem:$0x7FF] =	sst s6;
	s10 =	sshll.u32 s12, $0x1;
	s20 =	smul.u32 $0x4E20, s12  }
0x9: {  	s19 =	sshll.u32 s12, $0x6;
	s7 =	smul.u32 $0x28000, s0;
	_ =	strace $0x80000047  }
0xa: {  	s18 =	ssub.s32 $0x2, s0;
	s10 =	sor.u32 s0, s10;
	s0 =	smul.u32 $0x2710, s0  }
0xb: {  	s8 =	sadd.s32 s3, s2;
	s11 =	sshrl.u32 s18, $0x1;
	s9 =	sshrl.u32 s9, $0x2  }
0xc: {  	s10 =	smul.u32 $0x2710, s10;
	s3 =	sadd.s32 s3, s7;
	s7 =	ssub.s32 s18, s11  }
0xd: {  	s9 =	sadd.s32 s9, s5;
	s8 =	sadd.s32 $0x9E00, s8;
	s0 =	sadd.s32 s0, s20  }
0xe: {  	s3 =	sadd.s32 s3, s2;
	[dreg:$0x5] =	wrdreg s8;
	s8 =	sor.u32 $0x1C05, s19  }
0xf: {  	s10 =	sshrl.u32 s10, $0x3;
	s25 =	sadd.s32 $0x80, s0;
	s7 =	smax.u32 s7, $0x1  }
0x10: {  	s17 =	sadd.s32 $0x100, s0;
	s20 =	sshrl.u32 s9, $0x3;
	s0 =	simm.s32 $0x280  }
0x11: {  	s9 =	simm.s32 $0x8300;
	s21 =	sadd.s32 s2, s10;
	s22 =	sadd.s32 $0x4D0, s10  }
0x12: {  	s13 =	sadd.s32 s4, s10;
	s10 =	sadd.s32 $0x4E0, s10;
	[dreg:$0xd] =	wrdreg s7  }
0x13: {  	s3 =	sadd.s32 $0x31E00, s3;
	s26 =	sshrl.u32 s25, $0x3;
	[dreg:$0x6] =	wrdreg s21  }
0x14: {  	s25 =	simm.s32 $0x100;
	s7 =	simm.s32 $0x10;
	[dreg:$0x7] =	wrdreg s13  }
0x15: {  	s23 =	sadd.s32 s2, s22;
	s12 =	sadd.s32 s4, s22;
	[dreg:$0xc] =	wrdreg s3  }
0x16: {  	s24 =	sadd.s32 s2, s10;
	s10 =	sadd.s32 s4, s10;
	[dreg:$0x8] =	wrdreg s23  }
0x17: {  	s18 =	sadd.s32 s26, s4;
	s19 =	sadd.s32 s26, s2;
	[dreg:$0x9] =	wrdreg s12  }
0x18: {  	s21 =	simm.s32 $0x5;
	s22 =	simm.s32 $0x80;
	[dreg:$0xa] =	wrdreg s24  }
0x19: {  	s26 =	simm.s32 $0x180;
	s3 =	simm.s32 $0x200;
	[dreg:$0xb] =	wrdreg s10  }
0x1a: {  	s23 =	simm.s32 $0x3;
	s24 =	simm.s32 $0x300;
	s10 =	simm.s32 $0x0  }
.LBB2_1:
0x1b: {  	s11 =	rddreg [dreg:$0x5]  }
0x1c: {  	[spmem:s20], [sflag:s8] =	dma.local [hbm:s11], $0x2800  }
0x1d: {  	_ =	swait.ge [sflag:s21], $0x2800  }
0x1e: {  	[sflag:s21] =	ssyncset.done $0x0  }
0x1f: {  	[sflag:s21] =	ssyncadd.s32 $0xFFFFD800  }
0x20: {  	[bflag:$0x0] =	sbarrier.arrive $0xFFFF  }
0x21: {  	s12 =	rddreg [dreg:$0x6]  }
0x22: {  	[tilespmem:s6], [sflag:$0x3] =	stream.linear.gather [hbm4b:s12+s6], $0x80, $0x38;
	[tilespmem:$0x1CB00] =	vst v63  }
0x23: {  	s13 =	rddreg [dreg:$0x7]  }
0x24: {  	[tilespmem:s22], [sflag:$0x3] =	stream.linear.gather [hbm4b:s13+s6], $0x80, $0x38;
	[tilespmem:$0x1CB00] =	vst v63  }
0x25: {  	_ =	swait.ge [sflag:s23], $0x80  }
0x26: {  	[sflag:s23] =	ssyncset.done $0x0  }
0x27: {  	[sflag:s23] =	ssyncadd.s32 $0xFFFFFF80  }
0x28: {  	_ =	swait.ge [sflag:s23], $0x80  }
0x29: {  	[sflag:s23] =	ssyncset.done $0x0  }
0x2a: {  	[sflag:s23] =	ssyncadd.s32 $0xFFFFFF80  }
0x2b: {  	[tilespmem:s24], [sflag:$0x1] =	stream.indirect.gather [hbm4b:s1+s22], $0x80, s6, s22, $0xb8;
	[tilespmem:$0x1CB00] =	vst v63  }
0x2c: {  	s14 =	sadd.s32 $0x0, s19  }
0x2d: {  	[tilespmem:s25], [sflag:$0x4] =	stream.linear.gather [hbm4b:s14+s6], $0x80, $0x38;
	[tilespmem:$0x1CB00] =	vst v63  }
0x2e: {  	s15 =	sadd.s32 $0x0, s18  }
0x2f: {  	[tilespmem:s26], [sflag:$0x4] =	stream.linear.gather [hbm4b:s15+s6], $0x80, $0x38;
	[tilespmem:$0x1CB00] =	vst v63  }
0x30: {  	_ =	swait.ge [sflag:s28], $0x4000  }
0x31: {  	[sflag:s28] =	ssyncset.done $0x0  }
0x32: {  	[sflag:s28] =	ssyncadd.s32 $0xFFFFC000  }
0x33: {  	[spmem:s5] =	stream.indirect.scatter.add.f32 [tilespmem:s24], [sflag:$0x5], $0x80, s22, s22, $0xb8;
	[tilespmem:$0x1CB00] =	vst v63  }
0x34: {  	_ =	swait.ge [sflag:s21], $0x4000  }
0x35: {  	[sflag:s21] =	ssyncset.done $0x0  }
0x36: {  	[sflag:s21] =	ssyncadd.s32 $0xFFFFC000  }
0x37: {  	_ =	swait.ge [sflag:s29], $0x80  }
0x38: {  	[sflag:s29] =	ssyncset.done $0x0  }
0x39: {  	[sflag:s29] =	ssyncadd.s32 $0xFFFFFF80  }
0x3a: {  	_ =	swait.ge [sflag:s29], $0x80  }
0x3b: {  	[sflag:s29] =	ssyncset.done $0x0  }
0x3c: {  	s16 =	sshrl.u32 s17, $0x3;
	[sflag:s29] =	ssyncadd.s32 $0xFFFFFF80  }
0x3d: {  	[tilespmem:s30], [sflag:$0x2] =	stream.indirect.gather [hbm4b:s1+s22], $0x80, s25, s22, $0xb8;
	[tilespmem:$0x1CB00] =	vst v63  }
0x3e: {  	s12 =	sadd.s32 s2, s16  }
0x3f: {  	[tilespmem:s6], [sflag:$0x3] =	stream.linear.gather [hbm4b:s12+s6], $0x80, $0x38;
	[tilespmem:$0x1CB00] =	vst v63  }
0x40: {  	s11 =	sadd.s32 s4, s16  }
0x41: {  	[tilespmem:s22], [sflag:$0x3] =	stream.linear.gather [hbm4b:s11+s6], $0x80, $0x38;
	[tilespmem:$0x1CB00] =	vst v63  }
0x42: {  	_ =	swait.ge [sflag:s23], $0x80  }
0x43: {  	[sflag:s23] =	ssyncset.done $0x0  }
0x44: {  	[sflag:s23] =	ssyncadd.s32 $0xFFFFFF80  }
0x45: {  	_ =	swait.ge [sflag:s23], $0x80  }
0x46: {  	[sflag:s23] =	ssyncset.done $0x0  }
0x47: {  	[sflag:s23] =	ssyncadd.s32 $0xFFFFFF80  }
0x48: {  	[tilespmem:s24], [sflag:$0x1] =	stream.indirect.gather [hbm4b:s1+s22], $0x80, s6, s22, $0xb8;
	[tilespmem:$0x1CB00] =	vst v63  }
0x49: {  	_ =	swait.ge [sflag:s31], $0x4000  }
0x4a: {  	[sflag:s31] =	ssyncset.done $0x0  }
0x4b: {  	[sflag:s31] =	ssyncadd.s32 $0xFFFFC000  }
0x4c: {  	[spmem:s5] =	stream.indirect.scatter.add.f32 [tilespmem:s30], [sflag:$0x5], $0x80, s26, s22, $0xb8;
	[tilespmem:$0x1CB00] =	vst v63  }
0x4d: {  	s13 =	simm.s32 $0x40;
	_ =	swait.ge [sflag:s21], $0x4000  }
0x4e: {  	s12 =	simm.s32 $0x20;
	s11 =	sadd.s32 $0x100, s17;
	[sflag:s21] =	ssyncset.done $0x0  }
.LBB2_2:
0x4f: {  	s15 =	sadd.s32 s12, s19  }
0x50: {  	[sflag:s21] =	ssyncadd.s32 $0xFFFFC000;
	s16 =	smov.u32 s13;
	s14 =	sadd.s32 $0x20, s13  }
0x51: {  	[tilespmem:s25], [sflag:$0x4] =	stream.linear.gather [hbm4b:s15+s6], $0x80, $0x38;
	[tilespmem:$0x1CB00] =	vst v63  }
0x52: {  	p0 =	sne.s32 s13, $0x4A0;
	s13 =	sadd.s32 s12, s18;
	s12 =	smov.u32 s16  }
0x53: {  	[tilespmem:s26], [sflag:$0x4] =	stream.linear.gather [hbm4b:s13+s6], $0x80, $0x38;
	[tilespmem:$0x1CB00] =	vst v63  }
0x54: {  	_ =	swait.ge [sflag:s28], $0x4000  }
0x55: {  	[sflag:s28] =	ssyncset.done $0x0  }
0x56: {  	[sflag:s28] =	ssyncadd.s32 $0xFFFFC000  }
0x57: {  	[spmem:s5] =	stream.indirect.scatter.add.f32 [tilespmem:s24], [sflag:$0x5], $0x80, s22, s22, $0xb8;
	[tilespmem:$0x1CB00] =	vst v63  }
0x58: {  	_ =	swait.ge [sflag:s21], $0x4000  }
0x59: {  	[sflag:s21] =	ssyncset.done $0x0  }
0x5a: {  	[sflag:s21] =	ssyncadd.s32 $0xFFFFC000  }
0x5b: {  	_ =	swait.ge [sflag:s29], $0x80  }
0x5c: {  	[sflag:s29] =	ssyncset.done $0x0  }
0x5d: {  	[sflag:s29] =	ssyncadd.s32 $0xFFFFFF80  }
0x5e: {  	_ =	swait.ge [sflag:s29], $0x80  }
0x5f: {  	[sflag:s29] =	ssyncset.done $0x0  }
0x60: {  	s13 =	sshrl.u32 s11, $0x3;
	[sflag:s29] =	ssyncadd.s32 $0xFFFFFF80  }
0x61: {  	[tilespmem:s30], [sflag:$0x2] =	stream.indirect.gather [hbm4b:s1+s22], $0x80, s25, s22, $0xb8;
	[tilespmem:$0x1CB00] =	vst v63  }
0x62: {  	s15 =	sadd.s32 s2, s13  }
0x63: {  	[tilespmem:s6], [sflag:$0x3] =	stream.linear.gather [hbm4b:s15+s6], $0x80, $0x38;
	[tilespmem:$0x1CB00] =	vst v63  }
0x64: {  	s13 =	sadd.s32 s4, s13  }
0x65: {  	[tilespmem:s22], [sflag:$0x3] =	stream.linear.gather [hbm4b:s13+s6], $0x80, $0x38;
	[tilespmem:$0x1CB00] =	vst v63  }
0x66: {  	_ =	swait.ge [sflag:s23], $0x80  }
0x67: {  	[sflag:s23] =	ssyncset.done $0x0  }
0x68: {  	[sflag:s23] =	ssyncadd.s32 $0xFFFFFF80  }
0x69: {  	_ =	swait.ge [sflag:s23], $0x80  }
0x6a: {  	[sflag:s23] =	ssyncset.done $0x0  }
0x6b: {  	[sflag:s23] =	ssyncadd.s32 $0xFFFFFF80  }
0x6c: {  	[tilespmem:s24], [sflag:$0x1] =	stream.indirect.gather [hbm4b:s1+s22], $0x80, s6, s22, $0xb8;
	[tilespmem:$0x1CB00] =	vst v63  }
0x6d: {  	_ =	swait.ge [sflag:s31], $0x4000  }
.Ltmp0:
0x6e: {  	[sflag:s31] =	ssyncset.done $0x0;
	(pc) =	sbr.rel @p0 .LBB2_2-.Ltmp0, $4  }
0x6f: {  	[sflag:s31] =	ssyncadd.s32 $0xFFFFC000  }
0x70: {  	[spmem:s5] =	stream.indirect.scatter.add.f32 [tilespmem:s30], [sflag:$0x5], $0x80, s26, s22, $0xb8;
	[tilespmem:$0x1CB00] =	vst v63  }
0x71: {  	_ =	swait.ge [sflag:s21], $0x4000  }
0x72: {  	s11 =	sadd.s32 $0x100, s11;
	s13 =	smov.u32 s14;
	[sflag:s21] =	ssyncset.done $0x0  }
0x73: {  	s13 =	sadd.s32 s12, s19;
	[sflag:s21] =	ssyncadd.s32 $0xFFFFC000  }
0x74: {  	[tilespmem:s25], [sflag:$0x4] =	stream.linear.gather [hbm4b:s13+s6], $0x80, $0x38;
	[tilespmem:$0x1CB00] =	vst v63  }
0x75: {  	s14 =	sadd.s32 s12, s18  }
0x76: {  	[tilespmem:s26], [sflag:$0x4] =	stream.linear.gather [hbm4b:s14+s6], $0x80, $0x38;
	[tilespmem:$0x1CB00] =	vst v63  }
0x77: {  	_ =	swait.ge [sflag:s28], $0x4000  }
0x78: {  	[sflag:s28] =	ssyncset.done $0x0  }
0x79: {  	[sflag:s28] =	ssyncadd.s32 $0xFFFFC000  }
0x7a: {  	[spmem:s5] =	stream.indirect.scatter.add.f32 [tilespmem:s24], [sflag:$0x5], $0x80, s22, s22, $0xb8;
	[tilespmem:$0x1CB00] =	vst v63  }
0x7b: {  	_ =	swait.ge [sflag:s21], $0x4000  }
0x7c: {  	[sflag:s21] =	ssyncset.done $0x0  }
0x7d: {  	[sflag:s21] =	ssyncadd.s32 $0xFFFFC000  }
0x7e: {  	_ =	swait.ge [sflag:s29], $0x80  }
0x7f: {  	[sflag:s29] =	ssyncset.done $0x0  }
0x80: {  	[sflag:s29] =	ssyncadd.s32 $0xFFFFFF80  }
0x81: {  	_ =	swait.ge [sflag:s29], $0x80  }
0x82: {  	[sflag:s29] =	ssyncset.done $0x0  }
0x83: {  	s11 =	sshrl.u32 s11, $0x3;
	[sflag:s29] =	ssyncadd.s32 $0xFFFFFF80  }
0x84: {  	[tilespmem:s30], [sflag:$0x2] =	stream.indirect.gather [hbm4b:s1+s22], $0x80, s25, s22, $0xb8;
	[tilespmem:$0x1CB00] =	vst v63  }
0x85: {  	s15 =	sadd.s32 s2, s11  }
0x86: {  	[tilespmem:s6], [sflag:$0x3] =	stream.linear.gather [hbm4b:s15+s6], $0x80, $0x38;
	[tilespmem:$0x1CB00] =	vst v63  }
0x87: {  	s11 =	sadd.s32 s4, s11  }
0x88: {  	[tilespmem:s22], [sflag:$0x3] =	stream.linear.gather [hbm4b:s11+s6], $0x80, $0x38;
	[tilespmem:$0x1CB00] =	vst v63  }
0x89: {  	_ =	swait.ge [sflag:s23], $0x80  }
0x8a: {  	[sflag:s23] =	ssyncset.done $0x0  }
0x8b: {  	[sflag:s23] =	ssyncadd.s32 $0xFFFFFF80  }
0x8c: {  	_ =	swait.ge [sflag:s23], $0x80  }
0x8d: {  	[sflag:s23] =	ssyncset.done $0x0  }
0x8e: {  	[sflag:s23] =	ssyncadd.s32 $0xFFFFFF80  }
0x8f: {  	[tilespmem:s24], [sflag:$0x1] =	stream.indirect.gather [hbm4b:s1+s22], $0x80, s6, s22, $0xb8;
	[tilespmem:$0x1CB00] =	vst v63  }
0x90: {  	_ =	swait.ge [sflag:s31], $0x4000  }
0x91: {  	[sflag:s31] =	ssyncset.done $0x0  }
0x92: {  	[sflag:s31] =	ssyncadd.s32 $0xFFFFC000  }
0x93: {  	[spmem:s5] =	stream.indirect.scatter.add.f32 [tilespmem:s30], [sflag:$0x5], $0x80, s26, s22, $0xb8;
	[tilespmem:$0x1CB00] =	vst v63  }
0x94: {  	_ =	swait.ge [sflag:s21], $0x4000  }
0x95: {  	[sflag:s21] =	ssyncset.done $0x0  }
0x96: {  	s16 =	rddreg [dreg:$0x8];
	[sflag:s21] =	ssyncadd.s32 $0xFFFFC000  }
0x97: {  	[tilespmem:s25], [sflag:$0x4] =	stream.linear.gather [hbm4b:s16+s6], $0x80, $0x38;
	[tilespmem:$0x1CB00] =	vst v63  }
0x98: {  	s12 =	rddreg [dreg:$0x9]  }
0x99: {  	[tilespmem:s26], [sflag:$0x4] =	stream.linear.gather [hbm4b:s12+s6], $0x80, $0x38;
	[tilespmem:$0x1CB00] =	vst v63  }
0x9a: {  	_ =	swait.ge [sflag:s29], $0x80  }
0x9b: {  	[sflag:s29] =	ssyncset.done $0x0  }
0x9c: {  	[sflag:s29] =	ssyncadd.s32 $0xFFFFFF80  }
0x9d: {  	_ =	swait.ge [sflag:s29], $0x80  }
0x9e: {  	[sflag:s29] =	ssyncset.done $0x0  }
0x9f: {  	[sflag:s29] =	ssyncadd.s32 $0xFFFFFF80  }
0xa0: {  	[tilespmem:s30], [sflag:$0x2] =	stream.indirect.gather [hbm4b:s1+s22], $0x80, s25, s22, $0xb8;
	[tilespmem:$0x1CB00] =	vst v63  }
0xa1: {  	s13 =	rddreg [dreg:$0xa]  }
0xa2: {  	[tilespmem:s3], [sflag:$0x5] =	stream.linear.gather [hbm4b:s13+s6], $0x10, $0x38;
	[tilespmem:$0x1CB00] =	vst v63  }
0xa3: {  	_ =	swait.ge [sflag:s21], $0x10  }
0xa4: {  	[sflag:s21] =	ssyncset.done $0x0  }
0xa5: {  	s14 =	rddreg [dreg:$0xb];
	[sflag:s21] =	ssyncadd.s32 $0xFFFFFFF0  }
0xa6: {  	[tilespmem:s0], [sflag:$0x5] =	stream.linear.gather [hbm4b:s14+s6], $0x10, $0x38;
	[tilespmem:$0x1CB00] =	vst v63  }
0xa7: {  	_ =	swait.ge [sflag:s21], $0x10  }
0xa8: {  	[sflag:s21] =	ssyncset.done $0x0  }
0xa9: {  	[sflag:s21] =	ssyncadd.s32 $0xFFFFFFF0  }
0xaa: {  	_ =	swait.ge [sflag:s28], $0x4000  }
0xab: {  	[sflag:s28] =	ssyncset.done $0x0  }
0xac: {  	[sflag:s28] =	ssyncadd.s32 $0xFFFFC000  }
0xad: {  	[tilespmem:s9], [sflag:$0x1] =	stream.indirect.gather [hbm4b:s1+s7], $0x80, s3, s7, $0xb8;
	[tilespmem:$0x1CB00] =	vst v63  }
0xae: {  	_ = 	snop  }
0xaf: {  	[spmem:s5] =	stream.indirect.scatter.add.f32 [tilespmem:s24], [sflag:$0x5], $0x80, s22, s22, $0xb8;
	[tilespmem:$0x1CB00] =	vst v63  }
0xb0: {  	_ =	swait.ge [sflag:s21], $0x4000  }
0xb1: {  	[sflag:s21] =	ssyncset.done $0x0  }
0xb2: {  	[sflag:s21] =	ssyncadd.s32 $0xFFFFC000  }
0xb3: {  	_ =	swait.ge [sflag:s31], $0x4000  }
0xb4: {  	[sflag:s31] =	ssyncset.done $0x0  }
0xb5: {  	[sflag:s31] =	ssyncadd.s32 $0xFFFFC000  }
0xb6: {  	[spmem:s5] =	stream.indirect.scatter.add.f32 [tilespmem:s30], [sflag:$0x5], $0x80, s26, s22, $0xb8;
	[tilespmem:$0x1CB00] =	vst v63  }
0xb7: {  	_ =	swait.ge [sflag:s21], $0x4000  }
0xb8: {  	[sflag:s21] =	ssyncset.done $0x0  }
0xb9: {  	[sflag:s21] =	ssyncadd.s32 $0xFFFFC000  }
0xba: {  	_ =	swait.ge [sflag:s28], $0x800  }
0xbb: {  	[sflag:s28] =	ssyncset.done $0x0  }
0xbc: {  	[sflag:s28] =	ssyncadd.s32 $0xFFFFF800  }
0xbd: {  	[spmem:s5] =	stream.indirect.scatter.add.f32 [tilespmem:s9], [sflag:$0x5], $0x80, s0, s7, $0xb8;
	[tilespmem:$0x1CB00] =	vst v63  }
0xbe: {  	_ =	swait.ge [sflag:s21], $0x800  }
0xbf: {  	[sflag:s21] =	ssyncset.done $0x0  }
0xc0: {  	[sflag:s21] =	ssyncadd.s32 $0xFFFFF800  }
0xc1: {  	[bflag:$0x0] =	sbarrier.arrive $0xFFFF  }
0xc2: {  	s15 =	rddreg [dreg:$0xc]  }
0xc3: {  	[hbm:s15], [sflag:s8] =	dma.local [spmem:s20], $0x2800  }
0xc4: {  	_ =	swait.ge [sflag:s21], $0x2800  }
0xc5: {  	s10 =	sadd.s32 $0x1, s10;
	s16 =	rddreg [dreg:$0xd]  }
0xc6: {  	p0 =	sne.s32 s10, s16  }
.Ltmp1:
0xc7: {  	_ = 	snop;
	(pc) =	sbr.rel @p0 .LBB2_1-.Ltmp1, $3  }
0xc8: {  	_ =	sdelay $0x1  }
0xc9: {  	[sflag:s21] =	ssyncset.done $0x0  }
0xca: {  	[sflag:s21] =	ssyncadd.s32 $0xFFFFD800  }
0xcb: {  	_ =	sfence.sel $0x180000  }
0xcc: {  	[bflag:$0x0] =	sbarrier.arrive $0xFFFF  }
0xcd: {  	_ =	strace $0x90000047  }
0xce: {  	s0 =	stileid.u32;
	[bflag:$0x2] =	sbarrier.arrive $0xFFFF  }
0xcf: {  	p0 =	sne.s32 s0, $0x0;
	s0 =	rddreg [dreg:$0x4]  }
0xd0: {  	s0 =	sadd.s32 @!p0 $0x100000, s0  }
0xd1: {  	[sflag:s0] =	ssyncadd.tile.s32 @!p0 $0x1;
	_ =	shalt  }
.Lfunc_end2:
_tile_overlayer_lowered:
.L_overlay_start_2:
0xd2: {  	(tag) =	ssettag $0x2  }
0xd3: {  	s0 =	rddreg [dreg:$0x0];
	s2 =	stileid.u32  }
0xd4: {  	s1 =	rddreg [dreg:$0x1];
	p0 =	sne.s32 s2, $0x0  }
0xd5: {  	s3 =	rddreg [dreg:$0x2];
	[bflag:$0x3] =	sbarrier.arrive $0xFFFF;
	s2 =	simm.s32 @!p0 $0x1C05  }
0xd6: {  	[timem:s3], [sflag:s2] =	dma.local @!p0 [hbm:s0], s1  }
0xd7: {  	s0 =	simm.s32 @!p0 $0x5  }
0xd8: {  	_ =	swait.ge @!p0 [sflag:s0], s1  }
0xd9: {  	s1 =	ssub.s32 @!p0 $0x0, s1;
	[sflag:s0] =	ssyncset.done @!p0 $0x0  }
0xda: {  	[sflag:s0] =	ssyncadd.s32 @!p0 s1  }
0xdb: {  	[bflag:$0x3] =	sbarrier.arrive $0xFFFF  }
0xdc: {  	_ =	shalt  }

</sc_bundles>
